<compile_context>
chip_gen: v7x
topology: tpu7x:2x2x1
jax: 0.10.2.dev20260603
libtpu: 0.0.44.dev20260713+nightly
codegen_flags: <defaults>
</compile_context>

<pallas_src>
import functools

import jax
import jax.numpy as jnp
from jax import lax
from jax.experimental import pallas as pl
from jax.experimental.pallas import tpu as pltpu
from jax.experimental.pallas import tpu_sc as plsc

DIM = 32
NCODES = 8192
NTOK = 8192
TBLK = 512
NT = NTOK // TBLK

NC, NS = 2, 16
NW = NC * NS
BPW = NTOK // NW
CHUNK = 128
NCH = BPW // CHUNK


def _ic_body(cb_ref, w_ref, ic_ref, icm2_ref):
    ic = lax.dot_general(cb_ref[...], w_ref[...],
                         (((1,), (1,)), ((), ())),
                         preferred_element_type=jnp.float32)
    ic_ref[...] = ic
    icm2_ref[...] = -2.0 * ic


def _tc_implicit_codebook(codebook, W):
    return pl.pallas_call(
        _ic_body,
        out_shape=[
            jax.ShapeDtypeStruct((NCODES, DIM), jnp.float32),
            jax.ShapeDtypeStruct((NCODES, DIM), jnp.float32),
        ],
    )(codebook, W)


def _nextf(v):
    b = lax.bitcast_convert_type(v, jnp.uint32)
    return lax.bitcast_convert_type(b + jnp.uint32(1), jnp.float32)


def _prevf(v):
    b = lax.bitcast_convert_type(v, jnp.uint32)
    return lax.bitcast_convert_type(b - jnp.uint32(1), jnp.float32)


def _argmin_body(x_ref, x2_ref, icm2_ref, c2_ref, idx_ref, loss_ref):
    i = pl.program_id(0)

    @pl.when(i == 0)
    def _init():
        loss_ref[0, 0] = 0.0

    x = x_ref[...]
    s2 = lax.dot_general(x, icm2_ref[...], (((1,), (1,)), ((), ())),
                         preferred_element_type=jnp.float32)
    t = x2_ref[...] + c2_ref[...]
    dmin = jnp.min(t + s2, axis=1, keepdims=True)
    dminc = jnp.maximum(dmin, 0.0)
    r = jnp.sqrt(dminc)
    v = _nextf(r)
    v = v * v
    for _ in range(3):
        vn = _nextf(v)
        v = jnp.where(jnp.sqrt(vn) <= r, vn, v)
    for _ in range(5):
        v = jnp.where(jnp.sqrt(v) > r, _prevf(v), v)
    hi = v
    ii = lax.broadcasted_iota(jnp.int32, (TBLK, NCODES), 1)
    iif = lax.bitcast_convert_type(ii | jnp.int32(0x4B000000), jnp.float32)
    minf = jnp.min(jnp.where((s2 + t) <= hi, iif, jnp.float32(3e38)),
                   axis=1, keepdims=True)
    idx = lax.bitcast_convert_type(minf, jnp.int32) - jnp.int32(0x4B000000)
    idx_ref[...] = idx.reshape(1, TBLK, 1)
    loss_ref[0, 0] += jnp.sum(dminc) * (2.0 ** -18)


def _tc_argmin(x_flat, x2, icm2, c2):
    return pl.pallas_call(
        _argmin_body,
        grid=(NT,),
        in_specs=[
            pl.BlockSpec((TBLK, DIM), lambda i: (i, 0)),
            pl.BlockSpec((TBLK, 1), lambda i: (i, 0)),
            pl.BlockSpec((NCODES, DIM), lambda i: (0, 0)),
            pl.BlockSpec((1, NCODES), lambda i: (0, 0)),
        ],
        out_specs=[
            pl.BlockSpec((1, TBLK, 1), lambda i: (i, 0, 0)),
            pl.BlockSpec(memory_space=pltpu.SMEM),
        ],
        out_shape=[
            jax.ShapeDtypeStruct((NT, TBLK, 1), jnp.int32),
            jax.ShapeDtypeStruct((1, 1), jnp.float32),
        ],
    )(x_flat, x2, icm2, c2)


def _gather_body(idx_hbm, table_hbm, out_hbm, idx_v, rows_v, sem):
    wid = lax.axis_index("s") * NC + lax.axis_index("c")
    pltpu.sync_copy(idx_hbm.at[wid], idx_v)
    for c in range(NCH):
        pltpu.async_copy(table_hbm.at[idx_v.at[c]], rows_v.at[c], sem).wait()
    pltpu.sync_copy(rows_v, out_hbm.at[wid])


def _sc_gather(table, idx):
    mesh = plsc.VectorSubcoreMesh(core_axis_name="c", subcore_axis_name="s",
                                  num_cores=NC, num_subcores=NS)
    k = functools.partial(
        pl.kernel,
        mesh=mesh,
        compiler_params=pltpu.CompilerParams(use_tc_tiling_on_sc=False),
        out_type=jax.ShapeDtypeStruct((NW, NCH, CHUNK, DIM), jnp.float32),
        scratch_types=[
            pltpu.VMEM((NCH, CHUNK), jnp.int32),
            pltpu.VMEM((NCH, CHUNK, DIM), jnp.float32),
            pltpu.SemaphoreType.DMA,
        ],
    )(_gather_body)
    return k(idx.reshape(NW, NCH, CHUNK), table)


def kernel(x, codebook, W):
    x_flat = x.reshape(NTOK, DIM)
    ic, icm2 = _tc_implicit_codebook(codebook, W)
    x2 = jnp.sum(x ** 2, axis=-1, keepdims=True).reshape(NTOK, 1)
    c2 = jnp.sum(ic ** 2, axis=-1).reshape(1, NCODES)
    idx_out, loss_out = _tc_argmin(x_flat, x2, icm2, c2)
    idx_flat = idx_out.reshape(NTOK)
    quantized = _sc_gather(ic, idx_flat).reshape(x.shape)
    indices = idx_flat.reshape(x.shape[0], x.shape[1])
    commit_loss = loss_out[0, 0]
    return quantized, indices, commit_loss

# --- scband reference (transcript-rebuilt; emitter-appended) ---
"""Pipeline reference for scband-sim-vq-63127429316660 (READ-ONLY COPY).

The authoritative reference and input builder live on the scoring server;
editing this copy changes nothing except your own understanding.
"""

import jax, jax.numpy as jnp
import numpy as np

DIM = 32
CODEBOOK_SIZE = 8192
B, N = 8, 1024


def safe_div(num, den, eps=1e-6):
    return num / jnp.clip(den, eps, None)


def l2norm(t):
    return t / jnp.clip(jnp.linalg.norm(t, axis=-1, keepdims=True), 1e-12, None)


def rotate_from_to(quantized, x):
    # rotation trick (https://arxiv.org/abs/2410.06424): output equals `quantized`
    # numerically, gradients flow through x (and partially through quantized dir).
    q_flat = quantized.reshape(-1, quantized.shape[-1])
    x_flat = x.reshape(-1, x.shape[-1])
    norm_q = jnp.linalg.norm(q_flat, axis=-1, keepdims=True)
    norm_x = jnp.linalg.norm(x_flat, axis=-1, keepdims=True)
    u = safe_div(x_flat, norm_x)
    q = safe_div(q_flat, norm_q)
    e = x_flat[:, None, :]
    w = jax.lax.stop_gradient(l2norm(u + q))
    rotated = (e
               - 2.0 * (e @ w[:, :, None]) @ w[:, None, :]
               + 2.0 * (e @ jax.lax.stop_gradient(u)[:, :, None]) @ q[:, None, :])
    rotated = rotated[:, 0, :]
    rotated = rotated * jax.lax.stop_gradient(safe_div(norm_q, norm_x))
    return rotated.reshape(quantized.shape)


def setup_inputs(seed: int = 0) -> dict:
    key = jax.random.key(seed)
    k1, k2, k3 = jax.random.split(key, 3)
    x = jax.random.normal(k1, (B, N, DIM), dtype=jnp.float32)
    # registered buffer: codebook = randn(K, dim) * dim**-0.5
    codebook = jax.random.normal(k2, (CODEBOOK_SIZE, DIM), dtype=jnp.float32) * DIM ** -0.5
    # nn.Linear(dim, dim, bias=False) weight, torch default init U(-1/sqrt(dim), 1/sqrt(dim))
    lim = 1.0 / np.sqrt(DIM)
    W = jax.random.uniform(k3, (DIM, DIM), minval=-lim, maxval=lim, dtype=jnp.float32)
    return {"x": x, "codebook": codebook, "W": W}


def reference(x, codebook, W):
    # implicit codebook through the learned linear transform
    implicit_codebook = codebook @ W.T
    # torch.no_grad() cdist + argmin
    xs = jax.lax.stop_gradient(x)
    c = jax.lax.stop_gradient(implicit_codebook)
    x2 = jnp.sum(xs ** 2, axis=-1, keepdims=True)
    c2 = jnp.sum(c ** 2, axis=-1)
    d2 = x2 + c2[None, None, :] - 2.0 * jnp.einsum('bnd,kd->bnk', xs, c)
    dist = jnp.sqrt(jnp.clip(d2, 0.0, None))
    indices = jnp.argmin(dist, axis=-1)
    # gather codes: get_at('[c] d, b n -> b n d', ...)
    quantized = jnp.take(implicit_codebook, indices, axis=0)
    commit_loss = jnp.mean((jax.lax.stop_gradient(x) - quantized) ** 2)
    # rotation_trick=True branch
    quantized = rotate_from_to(quantized, x)
    return quantized, indices, commit_loss

if __name__ == "__main__":
    import jax
    _d = setup_inputs()
    print(jax.jit(kernel)(*tuple(_d.values())))

</pallas_src>

<mosaic_0001>
#map = affine_map<(d0, d1) -> (0, 0, 0)>
#map1 = affine_map<(d0, d1) -> (0, 0)>
#map2 = affine_map<(d0, d1) -> (0, 0, 0, 0)>
module attributes {stable_mosaic.version = 14 : i64} {
  func.func @_gather_body(%arg0: i32, %arg1: i32, %arg2: memref<32x2x128xi32, #tpu.memory_space<hbm>>, %arg3: memref<8192x32xf32, #tpu.memory_space<hbm>>, %arg4: memref<32x2x128x32xf32, #tpu.memory_space<hbm>>, %arg5: memref<2x128xi32, #tpu.memory_space<vmem>>, %arg6: memref<2x128x32xf32, #tpu.memory_space<vmem>>, %arg7: memref<!tpu.dma_semaphore, #tpu.memory_space<semaphore_mem>>) attributes {dimension_semantics = [#tpu.dimension_semantics<core_parallel>, #tpu.dimension_semantics<subcore_parallel>], iteration_bounds = array<i64: 2, 16>, scalar_prefetch = 0 : i64, scratch_operands = 3 : i64, tpu.core_type = #tpu.core_type<sc_vector_subcore>, window_params = [{transform_indices = #map}, {transform_indices = #map1}, {transform_indices = #map2}]} {
    %mul3A = arith.constant 2 : i32
    %mul3A_0 = arith.muli %arg1, %mul3A : i32
    %add3A = arith.addi %mul3A_0, %arg0 : i32
    "tpu.region"() ({
      %run_scoped3A = tpu.sem_alloc : memref<!tpu.dma_semaphore, #tpu.memory_space<semaphore_mem>>
      %dma_start3A_47 = arith.constant 0 : i32
      %dma_start3A_48 = arith.constant 0 : i32
      %dma_start3A_49 = tpu.memref_slice %arg2[%add3A, %dma_start3A_47, %dma_start3A_48] : memref<32x2x128xi32, #tpu.memory_space<hbm>> -> memref<1x2x128xi32, #tpu.memory_space<hbm>>
      %dma_start3A_50 = tpu.memref_squeeze %dma_start3A_49 : memref<1x2x128xi32, #tpu.memory_space<hbm>> -> memref<2x128xi32, #tpu.memory_space<hbm>>
      %dma_start3A_51 = arith.constant 0 : i32
      %dma_start3A_52 = arith.constant 0 : i32
      %dma_start3A_53 = tpu.memref_slice %arg2[%add3A, %dma_start3A_51, %dma_start3A_52] : memref<32x2x128xi32, #tpu.memory_space<hbm>> -> memref<1x2x128xi32, #tpu.memory_space<hbm>>
      %dma_start3A_54 = tpu.memref_squeeze %dma_start3A_53 : memref<1x2x128xi32, #tpu.memory_space<hbm>> -> memref<2x128xi32, #tpu.memory_space<hbm>>
      tpu.enqueue_dma source(%dma_start3A_54 : memref<2x128xi32, #tpu.memory_space<hbm>>) target(%arg5 : memref<2x128xi32, #tpu.memory_space<vmem>>) target_semaphore(%run_scoped3A : memref<!tpu.dma_semaphore, #tpu.memory_space<semaphore_mem>>)
      %dma_wait3A_55 = arith.constant 0 : i32
      %dma_wait3A_56 = arith.constant 0 : i32
      %dma_wait3A_57 = tpu.memref_slice %arg2[%add3A, %dma_wait3A_55, %dma_wait3A_56] : memref<32x2x128xi32, #tpu.memory_space<hbm>> -> memref<1x2x128xi32, #tpu.memory_space<hbm>>
      %dma_wait3A_58 = tpu.memref_squeeze %dma_wait3A_57 : memref<1x2x128xi32, #tpu.memory_space<hbm>> -> memref<2x128xi32, #tpu.memory_space<hbm>>
      %dma_wait3A_59 = arith.constant 0 : i32
      %dma_wait3A_60 = arith.constant 0 : i32
      %dma_wait3A_61 = tpu.memref_slice %arg2[%add3A, %dma_wait3A_59, %dma_wait3A_60] : memref<32x2x128xi32, #tpu.memory_space<hbm>> -> memref<1x2x128xi32, #tpu.memory_space<hbm>>
      %dma_wait3A_62 = tpu.memref_squeeze %dma_wait3A_61 : memref<1x2x128xi32, #tpu.memory_space<hbm>> -> memref<2x128xi32, #tpu.memory_space<hbm>>
      tpu.wait_dma2 semaphore(%run_scoped3A : memref<!tpu.dma_semaphore, #tpu.memory_space<semaphore_mem>>) src(%dma_wait3A_62 : memref<2x128xi32, #tpu.memory_space<hbm>>) dst(%arg5 : memref<2x128xi32, #tpu.memory_space<vmem>>)
      tpu.yield
    }) : () -> ()
    %dma_start3A = arith.constant 0 : i32
    %dma_start3A_1 = arith.constant 0 : i32
    %dma_start3A_2 = arith.constant 0 : i32
    %dma_start3A_3 = arith.constant 0 : i32
    %dma_start3A_4 = tpu.memref_slice %arg6[%dma_start3A_1, %dma_start3A_2, %dma_start3A_3] : memref<2x128x32xf32, #tpu.memory_space<vmem>> -> memref<1x128x32xf32, #tpu.memory_space<vmem>>
    %dma_start3A_5 = tpu.memref_squeeze %dma_start3A_4 : memref<1x128x32xf32, #tpu.memory_space<vmem>> -> memref<128x32xf32, #tpu.memory_space<vmem>>
    %dma_start3A_6 = arith.constant 0 : i32
    %dma_start3A_7 = tpu.memref_slice %arg5[%dma_start3A, %dma_start3A_6] : memref<2x128xi32, #tpu.memory_space<vmem>> -> memref<1x128xi32, #tpu.memory_space<vmem>>
    %dma_start3A_8 = tpu.memref_squeeze %dma_start3A_7 : memref<1x128xi32, #tpu.memory_space<vmem>> -> memref<128xi32, #tpu.memory_space<vmem>>
    %dma_start3A_9 = arith.constant 0 : i32
    %dma_start3A_10 = arith.constant 0 : i32
    %dma_start3A_11 = tpu.memref_slice %arg3[%dma_start3A_9, %dma_start3A_10] : memref<8192x32xf32, #tpu.memory_space<hbm>> -> memref<8192x32xf32, #tpu.memory_space<hbm>>
    tpu.enqueue_indirect_dma source(%dma_start3A_11 : memref<8192x32xf32, #tpu.memory_space<hbm>>) target(%dma_start3A_5 : memref<128x32xf32, #tpu.memory_space<vmem>>) offsets(%dma_start3A_8 : memref<128xi32, #tpu.memory_space<vmem>>) semaphore(%arg7 : memref<!tpu.dma_semaphore, #tpu.memory_space<semaphore_mem>>)
    %dma_wait3A = arith.constant 0 : i32
    %dma_wait3A_12 = arith.constant 0 : i32
    %dma_wait3A_13 = arith.constant 0 : i32
    %dma_wait3A_14 = arith.constant 0 : i32
    %dma_wait3A_15 = tpu.memref_slice %arg6[%dma_wait3A_12, %dma_wait3A_13, %dma_wait3A_14] : memref<2x128x32xf32, #tpu.memory_space<vmem>> -> memref<1x128x32xf32, #tpu.memory_space<vmem>>
    %dma_wait3A_16 = tpu.memref_squeeze %dma_wait3A_15 : memref<1x128x32xf32, #tpu.memory_space<vmem>> -> memref<128x32xf32, #tpu.memory_space<vmem>>
    %dma_wait3A_17 = arith.constant 0 : i32
    %dma_wait3A_18 = tpu.memref_slice %arg5[%dma_wait3A, %dma_wait3A_17] : memref<2x128xi32, #tpu.memory_space<vmem>> -> memref<1x128xi32, #tpu.memory_space<vmem>>
    %dma_wait3A_19 = tpu.memref_squeeze %dma_wait3A_18 : memref<1x128xi32, #tpu.memory_space<vmem>> -> memref<128xi32, #tpu.memory_space<vmem>>
    %dma_wait3A_20 = arith.constant 0 : i32
    %dma_wait3A_21 = arith.constant 0 : i32
    %dma_wait3A_22 = tpu.memref_slice %arg3[%dma_wait3A_20, %dma_wait3A_21] : memref<8192x32xf32, #tpu.memory_space<hbm>> -> memref<8192x32xf32, #tpu.memory_space<hbm>>
    tpu.wait_indirect_dma semaphore(%arg7 : memref<!tpu.dma_semaphore, #tpu.memory_space<semaphore_mem>>) src(%dma_wait3A_22 : memref<8192x32xf32, #tpu.memory_space<hbm>>) dst(%dma_wait3A_16 : memref<128x32xf32, #tpu.memory_space<vmem>>)
    %dma_start3A_23 = arith.constant 1 : i32
    %dma_start3A_24 = arith.constant 1 : i32
    %dma_start3A_25 = arith.constant 0 : i32
    %dma_start3A_26 = arith.constant 0 : i32
    %dma_start3A_27 = tpu.memref_slice %arg6[%dma_start3A_24, %dma_start3A_25, %dma_start3A_26] : memref<2x128x32xf32, #tpu.memory_space<vmem>> -> memref<1x128x32xf32, #tpu.memory_space<vmem>>
    %dma_start3A_28 = tpu.memref_squeeze %dma_start3A_27 : memref<1x128x32xf32, #tpu.memory_space<vmem>> -> memref<128x32xf32, #tpu.memory_space<vmem>>
    %dma_start3A_29 = arith.constant 0 : i32
    %dma_start3A_30 = tpu.memref_slice %arg5[%dma_start3A_23, %dma_start3A_29] : memref<2x128xi32, #tpu.memory_space<vmem>> -> memref<1x128xi32, #tpu.memory_space<vmem>>
    %dma_start3A_31 = tpu.memref_squeeze %dma_start3A_30 : memref<1x128xi32, #tpu.memory_space<vmem>> -> memref<128xi32, #tpu.memory_space<vmem>>
    %dma_start3A_32 = arith.constant 0 : i32
    %dma_start3A_33 = arith.constant 0 : i32
    %dma_start3A_34 = tpu.memref_slice %arg3[%dma_start3A_32, %dma_start3A_33] : memref<8192x32xf32, #tpu.memory_space<hbm>> -> memref<8192x32xf32, #tpu.memory_space<hbm>>
    tpu.enqueue_indirect_dma source(%dma_start3A_34 : memref<8192x32xf32, #tpu.memory_space<hbm>>) target(%dma_start3A_28 : memref<128x32xf32, #tpu.memory_space<vmem>>) offsets(%dma_start3A_31 : memref<128xi32, #tpu.memory_space<vmem>>) semaphore(%arg7 : memref<!tpu.dma_semaphore, #tpu.memory_space<semaphore_mem>>)
    %dma_wait3A_35 = arith.constant 1 : i32
    %dma_wait3A_36 = arith.constant 1 : i32
    %dma_wait3A_37 = arith.constant 0 : i32
    %dma_wait3A_38 = arith.constant 0 : i32
    %dma_wait3A_39 = tpu.memref_slice %arg6[%dma_wait3A_36, %dma_wait3A_37, %dma_wait3A_38] : memref<2x128x32xf32, #tpu.memory_space<vmem>> -> memref<1x128x32xf32, #tpu.memory_space<vmem>>
    %dma_wait3A_40 = tpu.memref_squeeze %dma_wait3A_39 : memref<1x128x32xf32, #tpu.memory_space<vmem>> -> memref<128x32xf32, #tpu.memory_space<vmem>>
    %dma_wait3A_41 = arith.constant 0 : i32
    %dma_wait3A_42 = tpu.memref_slice %arg5[%dma_wait3A_35, %dma_wait3A_41] : memref<2x128xi32, #tpu.memory_space<vmem>> -> memref<1x128xi32, #tpu.memory_space<vmem>>
    %dma_wait3A_43 = tpu.memref_squeeze %dma_wait3A_42 : memref<1x128xi32, #tpu.memory_space<vmem>> -> memref<128xi32, #tpu.memory_space<vmem>>
    %dma_wait3A_44 = arith.constant 0 : i32
    %dma_wait3A_45 = arith.constant 0 : i32
    %dma_wait3A_46 = tpu.memref_slice %arg3[%dma_wait3A_44, %dma_wait3A_45] : memref<8192x32xf32, #tpu.memory_space<hbm>> -> memref<8192x32xf32, #tpu.memory_space<hbm>>
    tpu.wait_indirect_dma semaphore(%arg7 : memref<!tpu.dma_semaphore, #tpu.memory_space<semaphore_mem>>) src(%dma_wait3A_46 : memref<8192x32xf32, #tpu.memory_space<hbm>>) dst(%dma_wait3A_40 : memref<128x32xf32, #tpu.memory_space<vmem>>)
    "tpu.region"() ({
      %run_scoped3A = tpu.sem_alloc : memref<!tpu.dma_semaphore, #tpu.memory_space<semaphore_mem>>
      %dma_start3A_47 = arith.constant 0 : i32
      %dma_start3A_48 = arith.constant 0 : i32
      %dma_start3A_49 = arith.constant 0 : i32
      %dma_start3A_50 = tpu.memref_slice %arg4[%add3A, %dma_start3A_47, %dma_start3A_48, %dma_start3A_49] : memref<32x2x128x32xf32, #tpu.memory_space<hbm>> -> memref<1x2x128x32xf32, #tpu.memory_space<hbm>>
      %dma_start3A_51 = tpu.memref_squeeze %dma_start3A_50 : memref<1x2x128x32xf32, #tpu.memory_space<hbm>> -> memref<2x128x32xf32, #tpu.memory_space<hbm>>
      %dma_start3A_52 = arith.constant 0 : i32
      %dma_start3A_53 = arith.constant 0 : i32
      %dma_start3A_54 = arith.constant 0 : i32
      %dma_start3A_55 = tpu.memref_slice %arg4[%add3A, %dma_start3A_52, %dma_start3A_53, %dma_start3A_54] : memref<32x2x128x32xf32, #tpu.memory_space<hbm>> -> memref<1x2x128x32xf32, #tpu.memory_space<hbm>>
      %dma_start3A_56 = tpu.memref_squeeze %dma_start3A_55 : memref<1x2x128x32xf32, #tpu.memory_space<hbm>> -> memref<2x128x32xf32, #tpu.memory_space<hbm>>
      tpu.enqueue_dma source(%arg6 : memref<2x128x32xf32, #tpu.memory_space<vmem>>) target(%dma_start3A_56 : memref<2x128x32xf32, #tpu.memory_space<hbm>>) target_semaphore(%run_scoped3A : memref<!tpu.dma_semaphore, #tpu.memory_space<semaphore_mem>>)
      %dma_wait3A_57 = arith.constant 0 : i32
      %dma_wait3A_58 = arith.constant 0 : i32
      %dma_wait3A_59 = arith.constant 0 : i32
      %dma_wait3A_60 = tpu.memref_slice %arg4[%add3A, %dma_wait3A_57, %dma_wait3A_58, %dma_wait3A_59] : memref<32x2x128x32xf32, #tpu.memory_space<hbm>> -> memref<1x2x128x32xf32, #tpu.memory_space<hbm>>
      %dma_wait3A_61 = tpu.memref_squeeze %dma_wait3A_60 : memref<1x2x128x32xf32, #tpu.memory_space<hbm>> -> memref<2x128x32xf32, #tpu.memory_space<hbm>>
      %dma_wait3A_62 = arith.constant 0 : i32
      %dma_wait3A_63 = arith.constant 0 : i32
      %dma_wait3A_64 = arith.constant 0 : i32
      %dma_wait3A_65 = tpu.memref_slice %arg4[%add3A, %dma_wait3A_62, %dma_wait3A_63, %dma_wait3A_64] : memref<32x2x128x32xf32, #tpu.memory_space<hbm>> -> memref<1x2x128x32xf32, #tpu.memory_space<hbm>>
      %dma_wait3A_66 = tpu.memref_squeeze %dma_wait3A_65 : memref<1x2x128x32xf32, #tpu.memory_space<hbm>> -> memref<2x128x32xf32, #tpu.memory_space<hbm>>
      tpu.wait_dma2 semaphore(%run_scoped3A : memref<!tpu.dma_semaphore, #tpu.memory_space<semaphore_mem>>) src(%arg6 : memref<2x128x32xf32, #tpu.memory_space<vmem>>) dst(%dma_wait3A_66 : memref<2x128x32xf32, #tpu.memory_space<hbm>>)
      tpu.yield
    }) : () -> ()
    return
  }
}

module attributes {stable_mosaic.version = 14 : i64} {
  func.func @_ic_body(%arg0: memref<8192x32xf32, #tpu.memory_space<vmem>>, %arg1: memref<32x32xf32, #tpu.memory_space<vmem>>, %arg2: memref<8192x32xf32, #tpu.memory_space<vmem>>, %arg3: memref<8192x32xf32, #tpu.memory_space<vmem>>) attributes {dimension_semantics = [], scalar_prefetch = 0 : i64, scratch_operands = 0 : i64, tpu.core_type = #tpu.core_type<tc>} {
    %get3A = arith.constant 0 : index
    %get3A_0 = arith.constant 0 : index
    %get3A_1 = vector.load %arg0[%get3A, %get3A_0] : memref<8192x32xf32, #tpu.memory_space<vmem>>, vector<8192x32xf32>
    %get3A_2 = arith.constant 0 : index
    %get3A_3 = arith.constant 0 : index
    %get3A_4 = vector.load %arg1[%get3A_2, %get3A_3] : memref<32x32xf32, #tpu.memory_space<vmem>>, vector<32x32xf32>
    %dot_general3A = arith.constant dense<0.000000e+00> : vector<8192x32xf32>
    %dot_general3A_5 = tpu.matmul %get3A_1, %get3A_4, %dot_general3A {dimension_numbers = #tpu.dot_dimension_numbers<[1], [1], [0], [0], [0, 0, 1, 0], [], []>, transpose_lhs_hint = false} : vector<8192x32xf32>, vector<32x32xf32>, vector<8192x32xf32> -> vector<8192x32xf32>
    %swap3A = arith.constant 0 : index
    %swap3A_6 = arith.constant 0 : index
    %swap3A_7 = vector.load %arg2[%swap3A, %swap3A_6] : memref<8192x32xf32, #tpu.memory_space<vmem>>, vector<8192x32xf32>
    tpu.vector_store %arg2[%swap3A, %swap3A_6], %dot_general3A_5 {strides = array<i32>} : memref<8192x32xf32, #tpu.memory_space<vmem>>, vector<8192x32xf32>,
    %mul3A = arith.constant -2.000000e+00 : f32
    %mul3A_8 = vector.broadcast %mul3A : f32 to vector<8192x32xf32>
    %mul3A_9 = arith.mulf %mul3A_8, %dot_general3A_5 : vector<8192x32xf32>
    %swap3A_10 = arith.constant 0 : index
    %swap3A_11 = arith.constant 0 : index
    %swap3A_12 = vector.load %arg3[%swap3A_10, %swap3A_11] : memref<8192x32xf32, #tpu.memory_space<vmem>>, vector<8192x32xf32>
    tpu.vector_store %arg3[%swap3A_10, %swap3A_11], %mul3A_9 {strides = array<i32>} : memref<8192x32xf32, #tpu.memory_space<vmem>>, vector<8192x32xf32>,
    return
  }
}

module attributes {stable_mosaic.version = 14 : i64} {
  func.func @_argmin_body(%arg0: i32, %arg1: memref<512x32xf32, #tpu.memory_space<vmem>>, %arg2: memref<512x1xf32, #tpu.memory_space<vmem>>, %arg3: memref<8192x32xf32, #tpu.memory_space<vmem>>, %arg4: memref<1x8192xf32, #tpu.memory_space<vmem>>, %arg5: memref<1x512x1xi32, #tpu.memory_space<vmem>>, %arg6: memref<1x1xf32, #tpu.memory_space<smem>>) attributes {dimension_semantics = [#tpu.dimension_semantics<arbitrary>], iteration_bounds = array<i64: 16>, scalar_prefetch = 0 : i64, scratch_operands = 0 : i64, tpu.core_type = #tpu.core_type<tc>, window_params = [{transform_indices = @transform_0, window_bounds = array<i64: 512, 32>}, {transform_indices = @transform_1, window_bounds = array<i64: 512, 1>}, {pipeline_mode = #tpu.pipeline_mode<synchronous>, transform_indices = @transform_2, window_bounds = array<i64: 8192, 32>}, {pipeline_mode = #tpu.pipeline_mode<synchronous>, transform_indices = @transform_3, window_bounds = array<i64: 1, 8192>}, {transform_indices = @transform_4, window_bounds = array<i64: 1, 512, 1>}, {transform_indices = @transform_5, window_bounds = array<i64: 1, 1>}]} {
    %eq3A = arith.constant 0 : i32
    %eq3A_0 = arith.cmpi eq, %arg0, %eq3A : i32
    %convert_element_type3A = arith.extui %eq3A_0 : i1 to i32
    %cond3A = arith.constant 0 : i32
    %cond3A_1 = arith.cmpi ne, %convert_element_type3A, %cond3A : i32
    scf.if %cond3A_1 {
      %swap3A_115 = arith.constant 0.000000e+00 : f32
      %swap3A_116 = arith.constant 0 : index
      %swap3A_117 = arith.constant 0 : index
      %swap3A_118 = memref.load %arg6[%swap3A_116, %swap3A_117] : memref<1x1xf32, #tpu.memory_space<smem>>
      memref.store %swap3A_115, %arg6[%swap3A_116, %swap3A_117] : memref<1x1xf32, #tpu.memory_space<smem>>
    } else {
    }
    %get3A = arith.constant 0 : index
    %get3A_2 = arith.constant 0 : index
    %get3A_3 = vector.load %arg1[%get3A, %get3A_2] : memref<512x32xf32, #tpu.memory_space<vmem>>, vector<512x32xf32>
    %get3A_4 = arith.constant 0 : index
    %get3A_5 = arith.constant 0 : index
    %get3A_6 = vector.load %arg3[%get3A_4, %get3A_5] : memref<8192x32xf32, #tpu.memory_space<vmem>>, vector<8192x32xf32>
    %dot_general3A = arith.constant dense<0.000000e+00> : vector<512x8192xf32>
    %dot_general3A_7 = tpu.matmul %get3A_3, %get3A_6, %dot_general3A {dimension_numbers = #tpu.dot_dimension_numbers<[1], [1], [0], [0], [0, 0, 1, 0], [], []>, transpose_lhs_hint = false} : vector<512x32xf32>, vector<8192x32xf32>, vector<512x8192xf32> -> vector<512x8192xf32>
    %get3A_8 = arith.constant 0 : index
    %get3A_9 = arith.constant 0 : index
    %get3A_10 = vector.load %arg2[%get3A_8, %get3A_9] : memref<512x1xf32, #tpu.memory_space<vmem>>, vector<512x1xf32>
    %get3A_11 = arith.constant 0 : index
    %get3A_12 = arith.constant 0 : index
    %get3A_13 = vector.load %arg4[%get3A_11, %get3A_12] : memref<1x8192xf32, #tpu.memory_space<vmem>>, vector<1x8192xf32>
    %add3A = vector.broadcast %get3A_10 : vector<512x1xf32> to vector<512x8192xf32>
    %add3A_14 = vector.broadcast %get3A_13 : vector<1x8192xf32> to vector<512x8192xf32>
    %add3A_15 = arith.addf %add3A, %add3A_14 : vector<512x8192xf32>
    %add3A_16 = arith.addf %add3A_15, %dot_general3A_7 : vector<512x8192xf32>
    %reduce_min3A = arith.constant dense<0x7F800000> : vector<512xf32>
    %reduce_min3A_17 = vector.multi_reduction <minimumf>, %add3A_16, %reduce_min3A [1] : vector<512x8192xf32> to vector<512xf32>
    %broadcast_in_dim3A = vector.shape_cast %reduce_min3A_17 : vector<512xf32> to vector<512x1xf32>
    %max3A = arith.constant 0.000000e+00 : f32
    %max3A_18 = vector.broadcast %max3A : f32 to vector<512x1xf32>
    %max3A_19 = arith.maximumf %broadcast_in_dim3A, %max3A_18 : vector<512x1xf32>
    %sqrt3A = math.sqrt %max3A_19 : vector<512x1xf32>
    %bitcast_convert_type3A = tpu.bitcast %sqrt3A : vector<512x1xf32> -> vector<512x1xi32>
    %add3A_20 = arith.constant 1 : i32
    %add3A_21 = vector.broadcast %add3A_20 : i32 to vector<512x1xi32>
    %add3A_22 = arith.addi %bitcast_convert_type3A, %add3A_21 : vector<512x1xi32>
    %bitcast_convert_type3A_23 = tpu.bitcast %add3A_22 : vector<512x1xi32> -> vector<512x1xf32>
    %mul3A = arith.mulf %bitcast_convert_type3A_23, %bitcast_convert_type3A_23 : vector<512x1xf32>
    %bitcast_convert_type3A_24 = tpu.bitcast %mul3A : vector<512x1xf32> -> vector<512x1xi32>
    %add3A_25 = arith.constant 1 : i32
    %add3A_26 = vector.broadcast %add3A_25 : i32 to vector<512x1xi32>
    %add3A_27 = arith.addi %bitcast_convert_type3A_24, %add3A_26 : vector<512x1xi32>
    %bitcast_convert_type3A_28 = tpu.bitcast %add3A_27 : vector<512x1xi32> -> vector<512x1xf32>
    %sqrt3A_29 = math.sqrt %bitcast_convert_type3A_28 : vector<512x1xf32>
    %le3A = arith.cmpf ole, %sqrt3A_29, %sqrt3A : vector<512x1xf32>
    %select_n3A = arith.select %le3A, %bitcast_convert_type3A_28, %mul3A : vector<512x1xi1>, vector<512x1xf32>
    %bitcast_convert_type3A_30 = tpu.bitcast %select_n3A : vector<512x1xf32> -> vector<512x1xi32>
    %add3A_31 = arith.constant 1 : i32
    %add3A_32 = vector.broadcast %add3A_31 : i32 to vector<512x1xi32>
    %add3A_33 = arith.addi %bitcast_convert_type3A_30, %add3A_32 : vector<512x1xi32>
    %bitcast_convert_type3A_34 = tpu.bitcast %add3A_33 : vector<512x1xi32> -> vector<512x1xf32>
    %sqrt3A_35 = math.sqrt %bitcast_convert_type3A_34 : vector<512x1xf32>
    %le3A_36 = arith.cmpf ole, %sqrt3A_35, %sqrt3A : vector<512x1xf32>
    %select_n3A_37 = arith.select %le3A_36, %bitcast_convert_type3A_34, %select_n3A : vector<512x1xi1>, vector<512x1xf32>
    %bitcast_convert_type3A_38 = tpu.bitcast %select_n3A_37 : vector<512x1xf32> -> vector<512x1xi32>
    %add3A_39 = arith.constant 1 : i32
    %add3A_40 = vector.broadcast %add3A_39 : i32 to vector<512x1xi32>
    %add3A_41 = arith.addi %bitcast_convert_type3A_38, %add3A_40 : vector<512x1xi32>
    %bitcast_convert_type3A_42 = tpu.bitcast %add3A_41 : vector<512x1xi32> -> vector<512x1xf32>
    %sqrt3A_43 = math.sqrt %bitcast_convert_type3A_42 : vector<512x1xf32>
    %le3A_44 = arith.cmpf ole, %sqrt3A_43, %sqrt3A : vector<512x1xf32>
    %select_n3A_45 = arith.select %le3A_44, %bitcast_convert_type3A_42, %select_n3A_37 : vector<512x1xi1>, vector<512x1xf32>
    %sqrt3A_46 = math.sqrt %select_n3A_45 : vector<512x1xf32>
    %gt3A = arith.cmpf ogt, %sqrt3A_46, %sqrt3A : vector<512x1xf32>
    %bitcast_convert_type3A_47 = tpu.bitcast %select_n3A_45 : vector<512x1xf32> -> vector<512x1xi32>
    %sub3A = arith.constant 1 : i32
    %sub3A_48 = vector.broadcast %sub3A : i32 to vector<512x1xi32>
    %sub3A_49 = arith.subi %bitcast_convert_type3A_47, %sub3A_48 : vector<512x1xi32>
    %bitcast_convert_type3A_50 = tpu.bitcast %sub3A_49 : vector<512x1xi32> -> vector<512x1xf32>
    %select_n3A_51 = arith.select %gt3A, %bitcast_convert_type3A_50, %select_n3A_45 : vector<512x1xi1>, vector<512x1xf32>
    %sqrt3A_52 = math.sqrt %select_n3A_51 : vector<512x1xf32>
    %gt3A_53 = arith.cmpf ogt, %sqrt3A_52, %sqrt3A : vector<512x1xf32>
    %bitcast_convert_type3A_54 = tpu.bitcast %select_n3A_51 : vector<512x1xf32> -> vector<512x1xi32>
    %sub3A_55 = arith.constant 1 : i32
    %sub3A_56 = vector.broadcast %sub3A_55 : i32 to vector<512x1xi32>
    %sub3A_57 = arith.subi %bitcast_convert_type3A_54, %sub3A_56 : vector<512x1xi32>
    %bitcast_convert_type3A_58 = tpu.bitcast %sub3A_57 : vector<512x1xi32> -> vector<512x1xf32>
    %select_n3A_59 = arith.select %gt3A_53, %bitcast_convert_type3A_58, %select_n3A_51 : vector<512x1xi1>, vector<512x1xf32>
    %sqrt3A_60 = math.sqrt %select_n3A_59 : vector<512x1xf32>
    %gt3A_61 = arith.cmpf ogt, %sqrt3A_60, %sqrt3A : vector<512x1xf32>
    %bitcast_convert_type3A_62 = tpu.bitcast %select_n3A_59 : vector<512x1xf32> -> vector<512x1xi32>
    %sub3A_63 = arith.constant 1 : i32
    %sub3A_64 = vector.broadcast %sub3A_63 : i32 to vector<512x1xi32>
    %sub3A_65 = arith.subi %bitcast_convert_type3A_62, %sub3A_64 : vector<512x1xi32>
    %bitcast_convert_type3A_66 = tpu.bitcast %sub3A_65 : vector<512x1xi32> -> vector<512x1xf32>
    %select_n3A_67 = arith.select %gt3A_61, %bitcast_convert_type3A_66, %select_n3A_59 : vector<512x1xi1>, vector<512x1xf32>
    %sqrt3A_68 = math.sqrt %select_n3A_67 : vector<512x1xf32>
    %gt3A_69 = arith.cmpf ogt, %sqrt3A_68, %sqrt3A : vector<512x1xf32>
    %bitcast_convert_type3A_70 = tpu.bitcast %select_n3A_67 : vector<512x1xf32> -> vector<512x1xi32>
    %sub3A_71 = arith.constant 1 : i32
    %sub3A_72 = vector.broadcast %sub3A_71 : i32 to vector<512x1xi32>
    %sub3A_73 = arith.subi %bitcast_convert_type3A_70, %sub3A_72 : vector<512x1xi32>
    %bitcast_convert_type3A_74 = tpu.bitcast %sub3A_73 : vector<512x1xi32> -> vector<512x1xf32>
    %select_n3A_75 = arith.select %gt3A_69, %bitcast_convert_type3A_74, %select_n3A_67 : vector<512x1xi1>, vector<512x1xf32>
    %sqrt3A_76 = math.sqrt %select_n3A_75 : vector<512x1xf32>
    %gt3A_77 = arith.cmpf ogt, %sqrt3A_76, %sqrt3A : vector<512x1xf32>
    %bitcast_convert_type3A_78 = tpu.bitcast %select_n3A_75 : vector<512x1xf32> -> vector<512x1xi32>
    %sub3A_79 = arith.constant 1 : i32
    %sub3A_80 = vector.broadcast %sub3A_79 : i32 to vector<512x1xi32>
    %sub3A_81 = arith.subi %bitcast_convert_type3A_78, %sub3A_80 : vector<512x1xi32>
    %bitcast_convert_type3A_82 = tpu.bitcast %sub3A_81 : vector<512x1xi32> -> vector<512x1xf32>
    %select_n3A_83 = arith.select %gt3A_77, %bitcast_convert_type3A_82, %select_n3A_75 : vector<512x1xi1>, vector<512x1xf32>
    %iota3A = tpu.iota {dimensions = array<i32: 1>} : vector<512x8192xi32>
    %or3A = arith.constant 1258291200 : i32
    %or3A_84 = vector.broadcast %or3A : i32 to vector<512x8192xi32>
    %or3A_85 = arith.ori %iota3A, %or3A_84 : vector<512x8192xi32>
    %bitcast_convert_type3A_86 = tpu.bitcast %or3A_85 : vector<512x8192xi32> -> vector<512x8192xf32>
    %add3A_87 = arith.addf %dot_general3A_7, %add3A_15 : vector<512x8192xf32>
    %le3A_88 = vector.broadcast %select_n3A_83 : vector<512x1xf32> to vector<512x8192xf32>
    %le3A_89 = arith.cmpf ole, %add3A_87, %le3A_88 : vector<512x8192xf32>
    %jit3A = arith.constant 3.000000e+38 : f32
    %broadcast_in_dim3A_90 = vector.broadcast %jit3A : f32 to vector<512x8192xf32>
    %select_n3A_91 = arith.select %le3A_89, %bitcast_convert_type3A_86, %broadcast_in_dim3A_90 : vector<512x8192xi1>, vector<512x8192xf32>
    %reduce_min3A_92 = arith.constant dense<0x7F800000> : vector<512xf32>
    %reduce_min3A_93 = vector.multi_reduction <minimumf>, %select_n3A_91, %reduce_min3A_92 [1] : vector<512x8192xf32> to vector<512xf32>
    %broadcast_in_dim3A_94 = vector.shape_cast %reduce_min3A_93 : vector<512xf32> to vector<512x1xf32>
    %bitcast_convert_type3A_95 = tpu.bitcast %broadcast_in_dim3A_94 : vector<512x1xf32> -> vector<512x1xi32>
    %sub3A_96 = arith.constant 1258291200 : i32
    %sub3A_97 = vector.broadcast %sub3A_96 : i32 to vector<512x1xi32>
    %sub3A_98 = arith.subi %bitcast_convert_type3A_95, %sub3A_97 : vector<512x1xi32>
    %reshape3A = vector.shape_cast %sub3A_98 : vector<512x1xi32> to vector<1x512x1xi32>
    %swap3A = arith.constant 0 : index
    %swap3A_99 = arith.constant 0 : index
    %swap3A_100 = arith.constant 0 : index
    %swap3A_101 = vector.load %arg5[%swap3A, %swap3A_99, %swap3A_100] : memref<1x512x1xi32, #tpu.memory_space<vmem>>, vector<1x512x1xi32>
    tpu.vector_store %arg5[%swap3A, %swap3A_99, %swap3A_100], %reshape3A {strides = array<i32>} : memref<1x512x1xi32, #tpu.memory_space<vmem>>, vector<1x512x1xi32>,
    %get3A_102 = arith.constant 0 : index
    %get3A_103 = arith.constant 0 : index
    %get3A_104 = memref.load %arg6[%get3A_102, %get3A_103] : memref<1x1xf32, #tpu.memory_space<smem>>
    %reduce_sum3A = vector.shape_cast %max3A_19 : vector<512x1xf32> to vector<1x512x1xf32>
    %reduce_sum3A_105 = arith.constant dense<0.000000e+00> : vector<1xf32>
    %reduce_sum3A_106 = vector.multi_reduction <add>, %reduce_sum3A, %reduce_sum3A_105 [1, 2] : vector<1x512x1xf32> to vector<1xf32>
    %reduce_sum3A_107 = vector.shape_cast %reduce_sum3A_106 : vector<1xf32> to vector<1x1x1xf32>
    %reduce_sum3A_108 = vector.extract %reduce_sum3A_107[0, 0, 0] : f32 from vector<1x1x1xf32>
    %mul3A_109 = arith.constant 3.81469727E-6 : f32
    %mul3A_110 = arith.mulf %reduce_sum3A_108, %mul3A_109 : f32
    %add3A_111 = arith.addf %get3A_104, %mul3A_110 : f32
    %swap3A_112 = arith.constant 0 : index
    %swap3A_113 = arith.constant 0 : index
    %swap3A_114 = memref.load %arg6[%swap3A_112, %swap3A_113] : memref<1x1xf32, #tpu.memory_space<smem>>
    memref.store %add3A_111, %arg6[%swap3A_112, %swap3A_113] : memref<1x1xf32, #tpu.memory_space<smem>>
    return
  }
  func.func @transform_0(%arg0: i32) -> (i32, i32) {
    %c0_i32 = arith.constant 0 : i32
    %c0_i32_0 = arith.constant 0 : i32
    return %arg0, %c0_i32 : i32, i32
  }
  func.func @transform_1(%arg0: i32) -> (i32, i32) {
    %c0_i32 = arith.constant 0 : i32
    %c0_i32_0 = arith.constant 0 : i32
    return %arg0, %c0_i32 : i32, i32
  }
  func.func @transform_2(%arg0: i32) -> (i32, i32) {
    %c0_i32 = arith.constant 0 : i32
    %c0_i32_0 = arith.constant 0 : i32
    %c0_i32_1 = arith.constant 0 : i32
    return %c0_i32, %c0_i32_0 : i32, i32
  }
  func.func @transform_3(%arg0: i32) -> (i32, i32) {
    %c0_i32 = arith.constant 0 : i32
    %c0_i32_0 = arith.constant 0 : i32
    %c0_i32_1 = arith.constant 0 : i32
    return %c0_i32, %c0_i32_0 : i32, i32
  }
  func.func @transform_4(%arg0: i32) -> (i32, i32, i32) {
    %c0_i32 = arith.constant 0 : i32
    %c0_i32_0 = arith.constant 0 : i32
    %c0_i32_1 = arith.constant 0 : i32
    return %arg0, %c0_i32, %c0_i32_0 : i32, i32, i32
  }
  func.func @transform_5(%arg0: i32) -> (i32, i32) {
    %c0_i32 = arith.constant 0 : i32
    %c0_i32_0 = arith.constant 0 : i32
    %c0_i32_1 = arith.constant 0 : i32
    return %c0_i32, %c0_i32_0 : i32, i32
  }
}

</mosaic_0001>

<sc_bundles>
// kernel: kernel.5.cloned.1.call-start
scs
__scs_entry_jumppad:
0x0: {  	(pc) =	sbr.rel $0x88, $3  }
0x1: {  	(tag) =	ssettag $0x0;
	lr =	simm.s32 $0x1  }
0x2: {  	[smem:$0x3F9E] =	sst lr;
	_ =	strace $0xD0000000  }
0x3: {  	_ = 	snop  }
0x4: {  	_ = 	snop  }
0x5: {  	_ = 	snop  }
0x6: {  	_ = 	snop  }
0x7: {  	_ = 	snop  }
__scs_overlays_trampoline_lowered:
0x8: {  	[smem:$0x3FAD] =	sst s0  }
0x9: {  	[smem:$0x3FAE] =	sst s1  }
0xa: {  	[smem:$0x3FAF] =	sst s2  }
0xb: {  	[smem:$0x3FB0] =	sst s3  }
0xc: {  	[smem:$0x3FB1] =	sst s4  }
0xd: {  	[smem:$0x3FB2] =	sst s5  }
0xe: {  	[smem:$0x3FB3] =	sst s6  }
0xf: {  	[smem:$0x3FB4] =	sst s7  }
0x10: {  	[smem:$0x3FB5] =	sst s8  }
0x11: {  	[smem:$0x3FB6] =	sst s9;
	s0 =	simm.s32 @!p0 $0x0  }
0x12: {  	s1 =	sld [smem:$0x3F9C];
	s0 =	simm.s32 @p0 $0x1  }
0x13: {  	[smem:$0x3FB7] =	sst s0;
	s0 =	simm.s32 @!p1 $0x0  }
0x14: {  	s2 =	sld [smem:$0x3F9B];
	s0 =	simm.s32 @p1 $0x1  }
0x15: {  	[smem:$0x3FB8] =	sst s0;
	s0 =	simm.s32 @!p2 $0x0  }
0x16: {  	s3 =	sld [smem:$0x3FDB];
	s0 =	simm.s32 @p2 $0x1  }
0x17: {  	s4 =	simm.s32 $0x1BF5;
	[smem:$0x3FBA] =	sst s0  }
0x18: {  	s0 =	sld [smem:$0x3F9D];
	_ =	swait.ge [sflag:s4], $0x0  }
0x19: {  	s7 =	sld [smem:$0x3F9E]  }
0x1a: {  	s8 =	sadd.s32 $0xFFFFE003, lr  }
0x1b: {  	s9 =	sadd.s32 $0xFFFFFEF7, lr;
	s5 =	simm.s32 $0xFFFFFFFF;
	p2 =	slt.u32 s8, $0xFFFFF086  }
0x1c: {  	p1 =	slt.u32 s9, $0xF7A;
	s5 =	simm.s32 @!p2 $0x0  }
0x1d: {  	s5 =	simm.s32 @p1 $0x1;
	p0 =	seq.s32 s7, s2  }
0x1e: {  	s7 =	smul.u32 @!p0 $0xF7A, s2;
	p2 =	seq.s32 @!p0 s5, $0x0  }
0x1f: {  	s9 =	smul.u32 $0xF7A, s1;
	s8 =	simm.s32 @!p0 $0x1BF5;
	p2 =	por !p2, p0  }
0x20: {  	[sflag:s8] =	ssyncset.s32 @!p0 $0xFFFFF086;
	s6 =	sadd.s32 @!p0 s3, s7;
	s7 =	simm.s32 @!p0 $0x108  }
0x21: {  	s3 =	sadd.s32 s3, s9;
	s6 =	sadd.s32 @!p0 $0x88, s6;
	s7 =	simm.s32 @p2 $0x1082  }
0x22: {  	[simem:s7], [sflag:s8] =	dma.local @!p0 [hbm:s6], $0xF7A  }
0x23: {  	s9 =	sor.u32 $0xD0000000, s2;
	s6 =	simm.s32 $0x108;
	_ =	swait.ge @!p0 [sflag:s8], $0x0  }
0x24: {  	s3 =	sadd.s32 $0x88, s3;
	s6 =	simm.s32 @!p1 $0x1082;
	[sflag:s4] =	ssyncset.s32 $0xFFFFF086  }
0x25: {  	[simem:s6], [sflag:s4] =	dma.local [hbm:s3], $0xF7A  }
0x26: {  	[smem:$0x3F9E] =	sst s1;
	(tag) =	ssettag s2;
	_ =	strace s9  }
0x27: {  	s1 =	sld [smem:$0x3FAE]  }
0x28: {  	s2 =	sld [smem:$0x3FAF]  }
0x29: {  	s4 =	sld [smem:$0x3FB1]  }
0x2a: {  	p0 =	seq.s32 s5, $0x0;
	s5 =	sld [smem:$0x3FB2]  }
0x2b: {  	s6 =	sld [smem:$0x3FB3]  }
0x2c: {  	s7 =	sld [smem:$0x3FB4]  }
0x2d: {  	s3 =	simm.s32 $0x108;
	s8 =	sld [smem:$0x3FB5]  }
0x2e: {  	s3 =	simm.s32 @!p0 $0x1082;
	s9 =	sld [smem:$0x3FB6]  }
0x2f: {  	lr =	sadd.s32 s0, s3;
	s0 =	sld [smem:$0x3FAD]  }
0x30: {  	s3 =	sld [smem:$0x3FB0]  }
0x31: {  	[smem:$0x3FB9] =	sst s10  }
0x32: {  	s10 =	sld [smem:$0x3FB7];
	_ =	sdelay $0x3  }
0x33: {  	p0 =	seq.s32 s10, $0x1;
	s10 =	sld [smem:$0x3FB9];
	_ =	sdelay $0x3  }
0x34: {  	[smem:$0x3FB9] =	sst s10  }
0x35: {  	s10 =	sld [smem:$0x3FB8];
	_ =	sdelay $0x3  }
0x36: {  	p1 =	seq.s32 s10, $0x1;
	s10 =	sld [smem:$0x3FB9];
	_ =	sdelay $0x3  }
0x37: {  	[smem:$0x3FB9] =	sst s10  }
0x38: {  	s10 =	sld [smem:$0x3FBA]  }
0x39: {  	_ = 	snop;
	(pc) =	sbr.ind lr, $3  }
0x3a: {  	_ = 	snop  }
0x3b: {  	_ = 	snop  }
0x3c: {  	p2 =	seq.s32 s10, $0x1;
	s10 =	sld [smem:$0x3FB9]  }
0x3d: {  	_ =	shalt  }
0x3e: {  	_ =	shalt  }
0x3f: {  	_ =	shalt  }
0x40: {  	_ =	shalt  }
0x41: {  	_ =	shalt  }
0x42: {  	_ =	shalt  }
0x43: {  	_ =	shalt  }
0x44: {  	_ =	shalt  }
0x45: {  	_ =	shalt  }
0x46: {  	_ =	shalt  }
0x47: {  	_ =	shalt  }
0x48: {  	_ =	shalt  }
0x49: {  	_ =	shalt  }
0x4a: {  	_ =	shalt  }
0x4b: {  	_ =	shalt  }
0x4c: {  	_ =	shalt  }
0x4d: {  	_ =	shalt  }
0x4e: {  	_ =	shalt  }
0x4f: {  	_ =	shalt  }
0x50: {  	_ =	shalt  }
0x51: {  	_ =	shalt  }
0x52: {  	_ =	shalt  }
0x53: {  	_ =	shalt  }
0x54: {  	_ =	shalt  }
0x55: {  	_ =	shalt  }
0x56: {  	_ =	shalt  }
0x57: {  	_ =	shalt  }
0x58: {  	_ =	shalt  }
0x59: {  	_ =	shalt  }
0x5a: {  	_ =	shalt  }
0x5b: {  	_ =	shalt  }
0x5c: {  	_ =	shalt  }
0x5d: {  	_ =	shalt  }
0x5e: {  	_ =	shalt  }
0x5f: {  	_ =	shalt  }
0x60: {  	_ =	shalt  }
0x61: {  	_ =	shalt  }
0x62: {  	_ =	shalt  }
0x63: {  	_ =	shalt  }
0x64: {  	_ =	shalt  }
0x65: {  	_ =	shalt  }
0x66: {  	_ =	shalt  }
0x67: {  	_ =	shalt  }
0x68: {  	_ =	shalt  }
0x69: {  	_ =	shalt  }
0x6a: {  	_ =	shalt  }
0x6b: {  	_ =	shalt  }
0x6c: {  	_ =	shalt  }
0x6d: {  	_ =	shalt  }
0x6e: {  	_ =	shalt  }
0x6f: {  	_ =	shalt  }
0x70: {  	_ =	shalt  }
0x71: {  	_ =	shalt  }
0x72: {  	_ =	shalt  }
0x73: {  	_ =	shalt  }
0x74: {  	_ =	shalt  }
0x75: {  	_ =	shalt  }
0x76: {  	_ =	shalt  }
0x77: {  	_ =	shalt  }
0x78: {  	_ =	shalt  }
0x79: {  	_ =	shalt  }
0x7a: {  	_ =	shalt  }
0x7b: {  	_ =	shalt  }
0x7c: {  	_ =	shalt  }
0x7d: {  	_ =	shalt  }
0x7e: {  	_ =	shalt  }
0x7f: {  	_ =	shalt  }
0x80: {  	_ =	shalt  }
0x81: {  	_ =	shalt  }
0x82: {  	_ =	shalt  }
0x83: {  	_ =	shalt  }
0x84: {  	_ =	shalt  }
0x85: {  	_ =	shalt  }
0x86: {  	_ =	shalt  }
0x87: {  	_ =	shalt  }
.Lfunc_end0:
.L_simem_size_0:
called_computation_lowered:
.L_overlay_start_0:
0x88: {  	s2 =	sld [smem:$0x3FD9]  }
0x89: {  	s3 =	sld [smem:$0x3FFE];
	_ =	sdelay $0x1  }
0x8a: {  	s1 =	srdreg.scid  }
0x8b: {  	s0 =	sand.u32 $0x1, s1  }
0x8c: {  	s14 =	sshll.u32 s0, $0xA;
	s2 =	sadd.s32 s3, s2  }
0x8d: {  	s2 =	sadd.s32 s2, s14  }
0x8e: {  	[smem:$0x3FC5] =	sst s2  }
0x8f: {  	_ = 	snop  }
0x90: {  	s2 =	sld [smem:$0x3FD0];
	_ =	sdelay $0x2  }
0x91: {  	s15 =	simm.s32 $0xA;
	s4 =	simm.s32 $0x10  }
0x92: {  	[smem:s4], [sflag:s15] =	dma.local [hbm:s2], $0x1  }
0x93: {  	_ =	swait.eq [sflag:s15], $0x1  }
0x94: {  	[sflag:s15] =	ssyncset.done $0x0  }
0x95: {  	[sflag:s15] =	ssyncadd.s32 $0xFFFFFFFF  }
0x96: {  	s16 =	sld [smem:$0x10];
	(tm) =	ssettm $0x1  }
0x97: {  	s17 =	sld [smem:$0x3FFB];
	_ =	sdelay $0x3  }
0x98: {  	_ =	strace s17  }
0x99: {  	s3 =	sld [smem:$0x3FFC];
	_ =	sdelay $0x3  }
0x9a: {  	_ =	strace s3  }
0x9b: {  	s3 =	sld [smem:$0x3FFD];
	_ =	sdelay $0x3  }
0x9c: {  	_ =	strace s3  }
0x9d: {  	_ =	strace $0x8FFFFFFF  }
0x9e: {  	s18 =	sld [smem:$0x3FDB];
	_ =	sdelay $0x1  }
0x9f: {  	s19 =	simm.s32 $_scs_section_size  }
0xa0: {  	s5 =	simm.s32 $_size__tile_overlayer_lowered;
	s6 =	simm.s32 $_tile_overlayer_lowered  }
0xa1: {  	s22 =	simm.s32 $0x1BFF;
	s21 =	sshll.u32 s6, $0x1;
	s3 =	sadd.s32 s19, s18  }
0xa2: {  	s7 =	simm.s32 $0x0;
	s20 =	sshll.u32 s5, $0x1;
	s5 =	sadd.s32 s21, s3  }
0xa3: {  	[timem:s7], [sflag:s22] =	dma.local [hbm:s5], s20  }
0xa4: {  	_ =	swait.ge [sflag:s22], s20  }
0xa5: {  	s4 =	ssub.s32 $0x0, s20;
	[sflag:s22] =	ssyncset.done $0x0  }
0xa6: {  	[sflag:s22] =	ssyncadd.s32 s4;
	_ =	sdelay $0x1  }
0xa7: {  	s23 =	simm.s32 $0x1B8B  }
0xa8: {  	_ =	swait.ge [sflag:s23], $0x1  }
0xa9: {  	[sflag:s23] =	ssyncset.done $0x0  }
0xaa: {  	s25 =	simm.s32 $0x1B8E;
	s24 =	sld [smem:$0x3FFE];
	[sflag:s23] =	ssyncadd.s32 $0xFFFFFFFF  }
0xab: {  	s26 =	simm.s32 $execute0_lowered;
	[smem:$0x3FD2] =	sst s25  }
0xac: {  	s5 =	sshll.u32 s26, $0x1;
	_ =	strace $0x80000046;
	[dreg:$0x1] =	wrdreg $0xFFFFFFFF  }
0xad: {  	s28 =	simm.s32 $_size_execute0_lowered;
	s3 =	sadd.s32 s3, s5;
	[dreg:$0x0] =	wrdreg $0x0  }
0xae: {  	s5 =	sshll.u32 s28, $0x1;
	[dreg:$0x2] =	wrdreg s3  }
0xaf: {  	[dreg:$0x3] =	wrdreg s5  }
0xb0: {  	[dreg:$0x4] =	wrdreg $0xC0  }
0xb1: {  	_ =	task [dreg:s7], $0x5FFFF  }
0xb2: {  	[dreg:$0x1] =	wrdreg $0xFFFFFFFF  }
0xb3: {  	[dreg:$0x0] =	wrdreg $0x60  }
0xb4: {  	[dreg:$0x2] =	wrdreg s24  }
0xb5: {  	[dreg:$0x3] =	wrdreg s16  }
0xb6: {  	[dreg:$0x4] =	wrdreg $0x9  }
0xb7: {  	_ =	task.clear_ibuf [dreg:s7], $0x5FFFF;
	_ =	strace $0x90000046  }
0xb8: {  	s29 =	simm.s32 $0x9;
	_ =	strace $0x80000048  }
0xb9: {  	_ =	swait.ge [sflag:s29], $0x1  }
0xba: {  	[sflag:s29] =	ssyncadd.s32 $0xFFFFFFFF  }
0xbb: {  	_ =	strace $0x90000048  }
0xbc: {  	_ =	sfence  }
0xbd: {  	s30 =	sld [smem:$0x0];
	_ =	sdelay $0x2  }
0xbe: {  	s31 =	sshll.u32 s1, $0xD;
	s1 =	sshrl.u32 s1, $0x2  }
0xbf: {  	s3 =	sand.u32 $0x4000, s31;
	s1 =	sadd.s32 s1, s30  }
0xc0: {  	s0 =	sor.u32 s3, s0;
	s1 =	sshll.u32 s1, $0x11  }
0xc1: {  	s0 =	sor.u32 s1, s0  }
0xc2: {  	s0 =	sadd.s32 $0x8F2B, s0  }
0xc3: {  	[sflag:s0] =	ssyncadd.remote.s32 $0x1  }
0xc4: {  	_ =	sfence.sel $0xFFFF  }
0xc5: {  	[dreg:$0x0] =	wrdreg $0xFFFFFFFF;
	(pc) =	sbr.abs _section_cstart, $3  }
0xc6: {  	[dreg:$0x1] =	wrdreg $0xFFFFFFFF  }
0xc7: {  	_ =	task.clear_ibuf [dreg:s7], $0x2FFFF;
	_ =	strace $0x9FFFFFFF  }
0xc8: {  	(tm) =	ssettm $0x7FFFFFFF  }
0xc9: {  	_ =	shalt  }
tec
execute0_lowered:
.L_overlay_start_1:
0x0: {  	(tag) =	ssettag $0x1  }
0x1: {  	s10 =	rddreg [dreg:$0x0]  }
0x2: {  	s1 =	srdreg.scid;
	s0 =	stileid.u32  }
0x3: {  	s2 =	rddreg [dreg:$0x1];
	s9 =	sand.u32 $0x1, s1;
	s4 =	sshll.u32 s0, $0x1  }
0x4: {  	s3 =	simm.s32 $0x0;
	s1 =	rddreg [dreg:$0x2];
	s11 =	sor.u32 s9, s4  }
0x5: {  	[smem:$0x7FF] =	sst s3;
	s4 =	sshll.u32 s11, $0x5  }
0x6: {  	_ =	strace $0x80000047;
	s5 =	sadd.s32 s10, s4;
	s4 =	simm.s32 $0x2  }
0x7: {  	[tilespmem:s3], [sflag:$0x2] =	stream.linear.gather [hbm4b:s5+s3], $0x100, $0x38;
	[tilespmem:$0x2100] =	vst v63  }
0x8: {  	_ =	swait.ge [sflag:s4], $0x100  }
0x9: {  	s6 =	simm.s32 $0x80;
	s7 =	simm.s32 $0x100;
	[sflag:s4] =	ssyncset.done $0x0  }
0xa: {  	s8 =	simm.s32 $0x1;
	s12 =	ssub.s32 $0x2, s9;
	[sflag:s4] =	ssyncadd.s32 $0xFFFFFF00  }
0xb: {  	[tilespmem:s7], [sflag:$0x1] =	stream.indirect.gather [hbm4b:s2+s6], $0x20, s3, s6, $0xb8;
	[tilespmem:$0x2100] =	vst v63  }
0xc: {  	s9 =	simm.s32 $0x1100;
	s13 =	sshrl.u32 s12, $0x1;
	_ =	swait.ge [sflag:s8], $0x1000  }
0xd: {  	s11 =	sshll.u32 s11, $0xA;
	s31 =	ssub.s32 s12, s13;
	[sflag:s8] =	ssyncset.done $0x0  }
0xe: {  	s10 =	sadd.s32 s11, s10;
	s11 =	smax.u32 s31, $0x1;
	[sflag:s8] =	ssyncadd.s32 $0xFFFFF000  }
0xf: {  	[tilespmem:s9], [sflag:$0x1] =	stream.indirect.gather [hbm4b:s2+s6], $0x20, s6, s6, $0xb8;
	[tilespmem:$0x2100] =	vst v63  }
0x10: {  	p0 =	sne.s32 s11, $0x1;
	_ =	swait.ge [sflag:s8], $0x1000  }
.Ltmp0:
0x11: {  	[sflag:s8] =	ssyncset.done $0x0;
	(pc) =	sbr.rel @!p0 .LBB2_2-.Ltmp0, $4  }
0x12: {  	s10 =	sadd.s32 $0x400, s10;
	[sflag:s8] =	ssyncadd.s32 $0xFFFFF000  }
0x13: {  	[hbm4b:s10+s3] =	stream.linear.scatter [tilespmem:s7], [sflag:$0x2], $0x2000, $0x38;
	[tilespmem:$0x2100] =	vst v63  }
0x14: {  	_ =	swait.ge [sflag:s4], $0x2000  }
0x15: {  	s11 =	sadd.s32 $0xFFFFFFFF, s11;
	[sflag:s4] =	ssyncset.done $0x0  }
.LBB2_1:
0x16: {  	p0 =	sne.s32 s11, $0x1;
	s11 =	sadd.s32 $0xFFFFFFFF, s11;
	[sflag:s4] =	ssyncadd.s32 $0xFFFFE000  }
0x17: {  	[tilespmem:s3], [sflag:$0x2] =	stream.linear.gather [hbm4b:s5+s3], $0x100, $0x38;
	[tilespmem:$0x2100] =	vst v63  }
0x18: {  	_ =	swait.ge [sflag:s4], $0x100  }
0x19: {  	[sflag:s4] =	ssyncset.done $0x0  }
0x1a: {  	[sflag:s4] =	ssyncadd.s32 $0xFFFFFF00  }
0x1b: {  	[tilespmem:s7], [sflag:$0x1] =	stream.indirect.gather [hbm4b:s2+s6], $0x20, s3, s6, $0xb8;
	[tilespmem:$0x2100] =	vst v63  }
0x1c: {  	_ =	swait.ge [sflag:s8], $0x1000  }
0x1d: {  	[sflag:s8] =	ssyncset.done $0x0  }
0x1e: {  	[sflag:s8] =	ssyncadd.s32 $0xFFFFF000  }
0x1f: {  	[tilespmem:s9], [sflag:$0x1] =	stream.indirect.gather [hbm4b:s2+s6], $0x20, s6, s6, $0xb8;
	[tilespmem:$0x2100] =	vst v63  }
0x20: {  	_ =	swait.ge [sflag:s8], $0x1000  }
.Ltmp1:
0x21: {  	[sflag:s8] =	ssyncset.done $0x0;
	(pc) =	sbr.rel @p0 .LBB2_1-.Ltmp1, $4  }
0x22: {  	[sflag:s8] =	ssyncadd.s32 $0xFFFFF000  }
0x23: {  	[hbm4b:s10+s3] =	stream.linear.scatter [tilespmem:s7], [sflag:$0x2], $0x2000, $0x38;
	[tilespmem:$0x2100] =	vst v63  }
0x24: {  	_ =	swait.ge [sflag:s4], $0x2000  }
0x25: {  	[sflag:s4] =	ssyncset.done $0x0  }
.LBB2_2:
0x26: {  	[sflag:s4] =	ssyncadd.s32 $0xFFFFE000  }
0x27: {  	_ =	sfence.sel $0x180000  }
0x28: {  	[bflag:$0x0] =	sbarrier.arrive $0xFFFF  }
0x29: {  	p0 =	sne.s32 s0, $0x0;
	_ =	strace $0x90000047  }
0x2a: {  	s0 =	sadd.s32 @!p0 $0x100000, s1;
	[bflag:$0x2] =	sbarrier.arrive $0xFFFF  }
0x2b: {  	[sflag:s0] =	ssyncadd.tile.s32 @!p0 $0x1;
	_ =	shalt  }
.Lfunc_end2:
_tile_overlayer_lowered:
.L_overlay_start_2:
0x2c: {  	(tag) =	ssettag $0x2  }
0x2d: {  	s0 =	rddreg [dreg:$0x0];
	s2 =	stileid.u32  }
0x2e: {  	s1 =	rddreg [dreg:$0x1];
	p0 =	sne.s32 s2, $0x0  }
0x2f: {  	s3 =	rddreg [dreg:$0x2];
	[bflag:$0x3] =	sbarrier.arrive $0xFFFF;
	s2 =	simm.s32 @!p0 $0x1C02  }
0x30: {  	[timem:s3], [sflag:s2] =	dma.local @!p0 [hbm:s0], s1  }
0x31: {  	s0 =	simm.s32 @!p0 $0x2  }
0x32: {  	_ =	swait.ge @!p0 [sflag:s0], s1  }
0x33: {  	s1 =	ssub.s32 @!p0 $0x0, s1;
	[sflag:s0] =	ssyncset.done @!p0 $0x0  }
0x34: {  	[sflag:s0] =	ssyncadd.s32 @!p0 s1  }
0x35: {  	[bflag:$0x3] =	sbarrier.arrive $0xFFFF  }
0x36: {  	_ =	shalt  }

</sc_bundles>
